<compile_context>
chip_gen: v7x
topology: tpu7x:2x2x1
jax: 0.10.2.dev20260603
libtpu: 0.0.44.dev20260713+nightly
codegen_flags: <defaults>
</compile_context>

<pallas_src>
import functools

import jax
import jax.numpy as jnp
from jax import lax
from jax.experimental import pallas as pl
from jax.experimental.pallas import tpu as pltpu, tpu_sc as plsc

_NUM_CORES = 2


@functools.cache
def _sc_copy(n):
    mesh = plsc.ScalarSubcoreMesh(axis_name="c", num_cores=1)

    @functools.partial(
        pl.kernel,
        mesh=mesh,
        out_type=(
            jax.ShapeDtypeStruct((n,), jnp.float32),
            jax.ShapeDtypeStruct((n,), jnp.float32),
        ),
        scratch_types=[
            pltpu.VMEM_SHARED((n,), jnp.float32),
            pltpu.VMEM_SHARED((n,), jnp.float32),
            pltpu.SemaphoreType.DMA,
            pltpu.SemaphoreType.DMA,
        ],
    )
    def body(kx_hbm, vx_hbm, k_out_hbm, v_out_hbm, kbuf, vbuf, ksem, vsem):
        kld = pltpu.make_async_copy(kx_hbm, kbuf, ksem)
        vld = pltpu.make_async_copy(vx_hbm, vbuf, vsem)
        kld.start()
        vld.start()
        kld.wait()
        kst = pltpu.make_async_copy(kbuf, k_out_hbm, ksem)
        kst.start()
        vld.wait()
        vst = pltpu.make_async_copy(vbuf, v_out_hbm, vsem)
        vst.start()
        kst.wait()
        vst.wait()

    return body


def kernel(kx, vx, k_cache, v_cache):
    del k_cache, v_cache
    shape = kx.shape
    n = kx.size
    k_flat, v_flat = _sc_copy(n)(kx.reshape(n), vx.reshape(n))
    return k_flat.reshape(shape), v_flat.reshape(shape)

# --- scband reference (transcript-rebuilt; emitter-appended) ---
"""Pipeline reference for scband-kvcache-84559316123928 (READ-ONLY COPY).

The authoritative reference and input builder live on the scoring server;
editing this copy changes nothing except your own understanding.
"""

import jax, jax.numpy as jnp
import numpy as np

BATCH = 32
MAX_SEQ_LEN = 8192
KV_HEAD_DIM = 128
IN_SEQ_LEN = 16
CURRENT_LENGTH = 0  # fresh cache, first update_kv call


def setup_inputs(seed: int = 0) -> dict:
    key = jax.random.key(seed)
    k1, k2 = jax.random.split(key)
    kx = jax.random.normal(k1, (BATCH, IN_SEQ_LEN, KV_HEAD_DIM), dtype=jnp.float32)
    vx = jax.random.normal(k2, (BATCH, IN_SEQ_LEN, KV_HEAD_DIM), dtype=jnp.float32)
    # registered buffers (zero-initialized caches)
    k_cache = jnp.zeros((BATCH, MAX_SEQ_LEN, KV_HEAD_DIM), dtype=jnp.float32)
    v_cache = jnp.zeros((BATCH, MAX_SEQ_LEN, KV_HEAD_DIM), dtype=jnp.float32)
    return {"kx": kx, "vx": vx, "k_cache": k_cache, "v_cache": v_cache}


def reference(kx, vx, k_cache, v_cache):
    # update_kv: write kx/vx into caches at [current_length : current_length+in_seq_len]
    in_seq_len = kx.shape[1]
    new_len = CURRENT_LENGTH + in_seq_len
    assert new_len <= MAX_SEQ_LEN, 'KV-Cache overflow!'
    new_k = jax.lax.dynamic_update_slice(k_cache, kx, (0, CURRENT_LENGTH, 0))
    new_v = jax.lax.dynamic_update_slice(v_cache, vx, (0, CURRENT_LENGTH, 0))
    # get_kv: return the valid prefix of the caches after the update
    k_out = new_k[:, :new_len, :]
    v_out = new_v[:, :new_len, :]
    return (k_out, v_out)

if __name__ == "__main__":
    import jax
    _d = setup_inputs()
    print(jax.jit(kernel)(*tuple(_d.values())))

</pallas_src>

<mosaic_0001>
#map = affine_map<(d0) -> (0)>
module attributes {stable_mosaic.version = 14 : i64} {
  func.func @body(%arg0: i32, %arg1: memref<65536xf32, #tpu.memory_space<hbm>>, %arg2: memref<65536xf32, #tpu.memory_space<hbm>>, %arg3: memref<65536xf32, #tpu.memory_space<hbm>>, %arg4: memref<65536xf32, #tpu.memory_space<hbm>>, %arg5: memref<65536xf32, #tpu.memory_space<vmem_shared>>, %arg6: memref<65536xf32, #tpu.memory_space<vmem_shared>>, %arg7: memref<!tpu.dma_semaphore, #tpu.memory_space<semaphore_mem>>, %arg8: memref<!tpu.dma_semaphore, #tpu.memory_space<semaphore_mem>>) attributes {dimension_semantics = [#tpu.dimension_semantics<core_parallel>], iteration_bounds = array<i64: 1>, scalar_prefetch = 0 : i64, scratch_operands = 4 : i64, tpu.core_type = #tpu.core_type<sc_scalar_subcore>, window_params = [{transform_indices = #map}, {transform_indices = #map}, {transform_indices = #map}, {transform_indices = #map}]} {
    tpu.enqueue_dma source(%arg1 : memref<65536xf32, #tpu.memory_space<hbm>>) target(%arg5 : memref<65536xf32, #tpu.memory_space<vmem_shared>>) target_semaphore(%arg7 : memref<!tpu.dma_semaphore, #tpu.memory_space<semaphore_mem>>)
    tpu.enqueue_dma source(%arg2 : memref<65536xf32, #tpu.memory_space<hbm>>) target(%arg6 : memref<65536xf32, #tpu.memory_space<vmem_shared>>) target_semaphore(%arg8 : memref<!tpu.dma_semaphore, #tpu.memory_space<semaphore_mem>>)
    tpu.wait_dma2 semaphore(%arg7 : memref<!tpu.dma_semaphore, #tpu.memory_space<semaphore_mem>>) src(%arg1 : memref<65536xf32, #tpu.memory_space<hbm>>) dst(%arg5 : memref<65536xf32, #tpu.memory_space<vmem_shared>>)
    tpu.enqueue_dma source(%arg5 : memref<65536xf32, #tpu.memory_space<vmem_shared>>) target(%arg3 : memref<65536xf32, #tpu.memory_space<hbm>>) target_semaphore(%arg7 : memref<!tpu.dma_semaphore, #tpu.memory_space<semaphore_mem>>)
    tpu.wait_dma2 semaphore(%arg8 : memref<!tpu.dma_semaphore, #tpu.memory_space<semaphore_mem>>) src(%arg2 : memref<65536xf32, #tpu.memory_space<hbm>>) dst(%arg6 : memref<65536xf32, #tpu.memory_space<vmem_shared>>)
    tpu.enqueue_dma source(%arg6 : memref<65536xf32, #tpu.memory_space<vmem_shared>>) target(%arg4 : memref<65536xf32, #tpu.memory_space<hbm>>) target_semaphore(%arg8 : memref<!tpu.dma_semaphore, #tpu.memory_space<semaphore_mem>>)
    tpu.wait_dma2 semaphore(%arg7 : memref<!tpu.dma_semaphore, #tpu.memory_space<semaphore_mem>>) src(%arg5 : memref<65536xf32, #tpu.memory_space<vmem_shared>>) dst(%arg3 : memref<65536xf32, #tpu.memory_space<hbm>>)
    tpu.wait_dma2 semaphore(%arg8 : memref<!tpu.dma_semaphore, #tpu.memory_space<semaphore_mem>>) src(%arg6 : memref<65536xf32, #tpu.memory_space<vmem_shared>>) dst(%arg4 : memref<65536xf32, #tpu.memory_space<hbm>>)
    return
  }
}

</mosaic_0001>

<sc_bundles>
// kernel: kernel.3.cloned.1.call-start
scs
__scs_entry_jumppad:
0x0: {  	(pc) =	sbr.rel $0x88, $3  }
0x1: {  	(tag) =	ssettag $0x0;
	lr =	simm.s32 $0x1  }
0x2: {  	[smem:$0x3F9F] =	sst lr;
	_ =	strace $0xD0000000  }
0x3: {  	_ = 	snop  }
0x4: {  	_ = 	snop  }
0x5: {  	_ = 	snop  }
0x6: {  	_ = 	snop  }
0x7: {  	_ = 	snop  }
__scs_overlays_trampoline_lowered:
0x8: {  	[smem:$0x3FAE] =	sst s0  }
0x9: {  	[smem:$0x3FAF] =	sst s1  }
0xa: {  	[smem:$0x3FB0] =	sst s2  }
0xb: {  	[smem:$0x3FB1] =	sst s3  }
0xc: {  	[smem:$0x3FB2] =	sst s4  }
0xd: {  	[smem:$0x3FB3] =	sst s5  }
0xe: {  	[smem:$0x3FB4] =	sst s6  }
0xf: {  	[smem:$0x3FB5] =	sst s7  }
0x10: {  	[smem:$0x3FB6] =	sst s8  }
0x11: {  	[smem:$0x3FB7] =	sst s9;
	s0 =	simm.s32 @!p0 $0x0  }
0x12: {  	s1 =	sld [smem:$0x3F9D];
	s0 =	simm.s32 @p0 $0x1  }
0x13: {  	[smem:$0x3FB8] =	sst s0;
	s0 =	simm.s32 @!p1 $0x0  }
0x14: {  	s2 =	sld [smem:$0x3F9C];
	s0 =	simm.s32 @p1 $0x1  }
0x15: {  	[smem:$0x3FB9] =	sst s0;
	s0 =	simm.s32 @!p2 $0x0  }
0x16: {  	s3 =	sld [smem:$0x3FDB];
	s0 =	simm.s32 @p2 $0x1  }
0x17: {  	s4 =	simm.s32 $0x1BF5;
	[smem:$0x3FBB] =	sst s0  }
0x18: {  	s0 =	sld [smem:$0x3F9E];
	_ =	swait.ge [sflag:s4], $0x0  }
0x19: {  	s7 =	sld [smem:$0x3F9F]  }
0x1a: {  	s8 =	sadd.s32 $0xFFFFE003, lr  }
0x1b: {  	s9 =	sadd.s32 $0xFFFFFEF7, lr;
	s5 =	simm.s32 $0xFFFFFFFF;
	p2 =	slt.u32 s8, $0xFFFFF086  }
0x1c: {  	p1 =	slt.u32 s9, $0xF7A;
	s5 =	simm.s32 @!p2 $0x0  }
0x1d: {  	s5 =	simm.s32 @p1 $0x1;
	p0 =	seq.s32 s7, s2  }
0x1e: {  	s7 =	smul.u32 @!p0 $0xF7A, s2;
	p2 =	seq.s32 @!p0 s5, $0x0  }
0x1f: {  	s9 =	smul.u32 $0xF7A, s1;
	s8 =	simm.s32 @!p0 $0x1BF5;
	p2 =	por !p2, p0  }
0x20: {  	[sflag:s8] =	ssyncset.s32 @!p0 $0xFFFFF086;
	s6 =	sadd.s32 @!p0 s3, s7;
	s7 =	simm.s32 @!p0 $0x108  }
0x21: {  	s3 =	sadd.s32 s3, s9;
	s6 =	sadd.s32 @!p0 $0x88, s6;
	s7 =	simm.s32 @p2 $0x1082  }
0x22: {  	[simem:s7], [sflag:s8] =	dma.local @!p0 [hbm:s6], $0xF7A  }
0x23: {  	s9 =	sor.u32 $0xD0000000, s2;
	s6 =	simm.s32 $0x108;
	_ =	swait.ge @!p0 [sflag:s8], $0x0  }
0x24: {  	s3 =	sadd.s32 $0x88, s3;
	s6 =	simm.s32 @!p1 $0x1082;
	[sflag:s4] =	ssyncset.s32 $0xFFFFF086  }
0x25: {  	[simem:s6], [sflag:s4] =	dma.local [hbm:s3], $0xF7A  }
0x26: {  	[smem:$0x3F9F] =	sst s1;
	(tag) =	ssettag s2;
	_ =	strace s9  }
0x27: {  	s1 =	sld [smem:$0x3FAF]  }
0x28: {  	s2 =	sld [smem:$0x3FB0]  }
0x29: {  	s4 =	sld [smem:$0x3FB2]  }
0x2a: {  	p0 =	seq.s32 s5, $0x0;
	s5 =	sld [smem:$0x3FB3]  }
0x2b: {  	s6 =	sld [smem:$0x3FB4]  }
0x2c: {  	s7 =	sld [smem:$0x3FB5]  }
0x2d: {  	s3 =	simm.s32 $0x108;
	s8 =	sld [smem:$0x3FB6]  }
0x2e: {  	s3 =	simm.s32 @!p0 $0x1082;
	s9 =	sld [smem:$0x3FB7]  }
0x2f: {  	lr =	sadd.s32 s0, s3;
	s0 =	sld [smem:$0x3FAE]  }
0x30: {  	s3 =	sld [smem:$0x3FB1]  }
0x31: {  	[smem:$0x3FBA] =	sst s10  }
0x32: {  	s10 =	sld [smem:$0x3FB8];
	_ =	sdelay $0x3  }
0x33: {  	p0 =	seq.s32 s10, $0x1;
	s10 =	sld [smem:$0x3FBA];
	_ =	sdelay $0x3  }
0x34: {  	[smem:$0x3FBA] =	sst s10  }
0x35: {  	s10 =	sld [smem:$0x3FB9];
	_ =	sdelay $0x3  }
0x36: {  	p1 =	seq.s32 s10, $0x1;
	s10 =	sld [smem:$0x3FBA];
	_ =	sdelay $0x3  }
0x37: {  	[smem:$0x3FBA] =	sst s10  }
0x38: {  	s10 =	sld [smem:$0x3FBB]  }
0x39: {  	_ = 	snop;
	(pc) =	sbr.ind lr, $3  }
0x3a: {  	_ = 	snop  }
0x3b: {  	_ = 	snop  }
0x3c: {  	p2 =	seq.s32 s10, $0x1;
	s10 =	sld [smem:$0x3FBA]  }
0x3d: {  	_ =	shalt  }
0x3e: {  	_ =	shalt  }
0x3f: {  	_ =	shalt  }
0x40: {  	_ =	shalt  }
0x41: {  	_ =	shalt  }
0x42: {  	_ =	shalt  }
0x43: {  	_ =	shalt  }
0x44: {  	_ =	shalt  }
0x45: {  	_ =	shalt  }
0x46: {  	_ =	shalt  }
0x47: {  	_ =	shalt  }
0x48: {  	_ =	shalt  }
0x49: {  	_ =	shalt  }
0x4a: {  	_ =	shalt  }
0x4b: {  	_ =	shalt  }
0x4c: {  	_ =	shalt  }
0x4d: {  	_ =	shalt  }
0x4e: {  	_ =	shalt  }
0x4f: {  	_ =	shalt  }
0x50: {  	_ =	shalt  }
0x51: {  	_ =	shalt  }
0x52: {  	_ =	shalt  }
0x53: {  	_ =	shalt  }
0x54: {  	_ =	shalt  }
0x55: {  	_ =	shalt  }
0x56: {  	_ =	shalt  }
0x57: {  	_ =	shalt  }
0x58: {  	_ =	shalt  }
0x59: {  	_ =	shalt  }
0x5a: {  	_ =	shalt  }
0x5b: {  	_ =	shalt  }
0x5c: {  	_ =	shalt  }
0x5d: {  	_ =	shalt  }
0x5e: {  	_ =	shalt  }
0x5f: {  	_ =	shalt  }
0x60: {  	_ =	shalt  }
0x61: {  	_ =	shalt  }
0x62: {  	_ =	shalt  }
0x63: {  	_ =	shalt  }
0x64: {  	_ =	shalt  }
0x65: {  	_ =	shalt  }
0x66: {  	_ =	shalt  }
0x67: {  	_ =	shalt  }
0x68: {  	_ =	shalt  }
0x69: {  	_ =	shalt  }
0x6a: {  	_ =	shalt  }
0x6b: {  	_ =	shalt  }
0x6c: {  	_ =	shalt  }
0x6d: {  	_ =	shalt  }
0x6e: {  	_ =	shalt  }
0x6f: {  	_ =	shalt  }
0x70: {  	_ =	shalt  }
0x71: {  	_ =	shalt  }
0x72: {  	_ =	shalt  }
0x73: {  	_ =	shalt  }
0x74: {  	_ =	shalt  }
0x75: {  	_ =	shalt  }
0x76: {  	_ =	shalt  }
0x77: {  	_ =	shalt  }
0x78: {  	_ =	shalt  }
0x79: {  	_ =	shalt  }
0x7a: {  	_ =	shalt  }
0x7b: {  	_ =	shalt  }
0x7c: {  	_ =	shalt  }
0x7d: {  	_ =	shalt  }
0x7e: {  	_ =	shalt  }
0x7f: {  	_ =	shalt  }
0x80: {  	_ =	shalt  }
0x81: {  	_ =	shalt  }
0x82: {  	_ =	shalt  }
0x83: {  	_ =	shalt  }
0x84: {  	_ =	shalt  }
0x85: {  	_ =	shalt  }
0x86: {  	_ =	shalt  }
0x87: {  	_ =	shalt  }
.Lfunc_end0:
.L_simem_size_0:
called_computation_lowered:
.L_overlay_start_0:
0x88: {  	s0 =	sld [smem:$0x3FD9]  }
0x89: {  	s1 =	sld [smem:$0x3FFE];
	_ =	sdelay $0x3  }
0x8a: {  	s0 =	sadd.s32 s1, s0  }
0x8b: {  	[smem:$0x3FC6] =	sst s0  }
0x8c: {  	_ = 	snop  }
0x8d: {  	s0 =	sld [smem:$0x3FD0];
	_ =	sdelay $0x1  }
0x8e: {  	s19 =	sld [smem:$0x3FC9]  }
0x8f: {  	s3 =	simm.s32 $0xB;
	s4 =	simm.s32 $0x10;
	s2 =	sld [smem:$0x3FC8]  }
0x90: {  	[smem:s4], [sflag:s3] =	dma.local [hbm:s0], $0x1  }
0x91: {  	_ =	swait.eq [sflag:s3], $0x1  }
0x92: {  	[sflag:s3] =	ssyncset.done $0x0  }
0x93: {  	s20 =	sld [smem:$0x10];
	[sflag:s3] =	ssyncadd.s32 $0xFFFFFFFF  }
0x94: {  	s21 =	sld [smem:$0x11];
	(tm) =	ssettm $0x1  }
0x95: {  	s22 =	sld [smem:$0x3FFB];
	_ =	sdelay $0x3  }
0x96: {  	_ =	strace s22  }
0x97: {  	s4 =	sld [smem:$0x3FFC];
	_ =	sdelay $0x3  }
0x98: {  	_ =	strace s4  }
0x99: {  	s4 =	sld [smem:$0x3FFD];
	_ =	sdelay $0x3  }
0x9a: {  	_ =	strace s4  }
0x9b: {  	s23 =	simm.s32 $0x1B8B;
	_ =	strace $0x8FFFFFFF  }
0x9c: {  	_ =	swait.ge [sflag:s23], $0x1  }
0x9d: {  	[sflag:s23] =	ssyncset.done $0x0  }
0x9e: {  	s24 =	simm.s32 $0x1B8E;
	[sflag:s23] =	ssyncadd.s32 $0xFFFFFFFF  }
0x9f: {  	s25 =	simm.s32 $0x9;
	s5 =	simm.s32 $0x0;
	[smem:$0x3FD2] =	sst s24  }
0xa0: {  	s26 =	simm.s32 $0xA;
	s6 =	simm.s32 $0x2000;
	_ =	strace $0x80000046  }
0xa1: {  	[spmem:s5], [sflag:s25] =	dma.local [hbm:s19], $0x2000  }
0xa2: {  	[spmem:s6], [sflag:s26] =	dma.local [hbm:s2], $0x2000  }
0xa3: {  	_ =	swait.ge [sflag:s25], $0x2000  }
0xa4: {  	[sflag:s25] =	ssyncset.done $0x0  }
0xa5: {  	[sflag:s25] =	ssyncadd.s32 $0xFFFFE000;
	_ =	sdelay $0x1  }
0xa6: {  	[hbm:s20], [sflag:s25] =	dma.local [spmem:s5], $0x2000  }
0xa7: {  	_ =	swait.ge [sflag:s26], $0x2000  }
0xa8: {  	[sflag:s26] =	ssyncset.done $0x0  }
0xa9: {  	[sflag:s26] =	ssyncadd.s32 $0xFFFFE000;
	_ =	sdelay $0x1  }
0xaa: {  	[hbm:s21], [sflag:s26] =	dma.local [spmem:s6], $0x2000  }
0xab: {  	_ =	swait.ge [sflag:s25], $0x2000  }
0xac: {  	[sflag:s25] =	ssyncset.done $0x0  }
0xad: {  	[sflag:s25] =	ssyncadd.s32 $0xFFFFE000;
	_ =	sdelay $0x2  }
0xae: {  	_ =	swait.ge [sflag:s26], $0x2000  }
0xaf: {  	[sflag:s26] =	ssyncset.done $0x0  }
0xb0: {  	[sflag:s26] =	ssyncadd.s32 $0xFFFFE000  }
0xb1: {  	_ =	strace $0x90000046  }
0xb2: {  	_ =	sfence  }
0xb3: {  	s28 =	sld [smem:$0x0];
	_ =	sdelay $0x1  }
0xb4: {  	s29 =	srdreg.scid  }
0xb5: {  	s30 =	sshll.u32 s29, $0xD;
	s31 =	sshrl.u32 s29, $0x2  }
0xb6: {  	s1 =	sand.u32 $0x1, s29;
	s2 =	sand.u32 $0x4000, s30;
	s0 =	sadd.s32 s31, s28  }
0xb7: {  	s1 =	sor.u32 s2, s1;
	s0 =	sshll.u32 s0, $0x11  }
0xb8: {  	s0 =	sor.u32 s0, s1  }
0xb9: {  	s0 =	sadd.s32 $0x8F2B, s0;
	(pc) =	sbr.abs _section_cstart, $3  }
0xba: {  	[sflag:s0] =	ssyncadd.remote.s32 $0x1  }
0xbb: {  	_ =	strace $0x9FFFFFFF  }
0xbc: {  	(tm) =	ssettm $0x7FFFFFFF  }
0xbd: {  	_ =	shalt  }

</sc_bundles>
